<compile_context>
chip_gen: v7x
topology: tpu7x:2x2x1
jax: 0.10.2.dev20260603
libtpu: 0.0.44.dev20260713+nightly
codegen_flags: <defaults>
</compile_context>

<pallas_src>
import functools

import jax
import jax.numpy as jnp
from jax import lax
from jax.experimental import pallas as pl
from jax.experimental.pallas import tpu as pltpu
from jax.experimental.pallas import tpu_sc as plsc

V = 100000
D = 64
B = 1024
CTX = 200

NC = 2
NS = 16
NW = NC * NS
RPW = B // NW
GC0 = 104
GC1 = CTX - GC0

VT = 512
NV = (V + VT - 1) // VT
VP = NV * VT


def _gather_mean(inputs, table):
    mesh = plsc.VectorSubcoreMesh(
        core_axis_name="c", subcore_axis_name="s",
        num_cores=NC, num_subcores=NS)

    @functools.partial(
        pl.kernel,
        out_type=jax.ShapeDtypeStruct((B, D), jnp.float32),
        mesh=mesh,
        scratch_types=[
            pltpu.VMEM((RPW * CTX,), jnp.int32),
            pltpu.VMEM((CTX, D), jnp.float32),
            pltpu.VMEM((RPW, D), jnp.float32),
            pltpu.SemaphoreType.DMA,
        ],
        compiler_params=pltpu.CompilerParams(use_tc_tiling_on_sc=False),
    )
    def body(inputs_hbm, table_hbm, out_hbm, idx_v, rows_v, out_v, sem):
        wid = lax.axis_index("s") * NC + lax.axis_index("c")
        base = wid * RPW
        pltpu.sync_copy(inputs_hbm.at[pl.ds(base * CTX, RPW * CTX)], idx_v)

        def row_body(e, _):
            off = pl.multiple_of(e * CTX, 8)
            cp0 = pltpu.async_copy(
                table_hbm.at[idx_v.at[pl.ds(off, GC0)]],
                rows_v.at[pl.ds(0, GC0)], sem)
            cp1 = pltpu.async_copy(
                table_hbm.at[idx_v.at[pl.ds(pl.multiple_of(off + GC0, 8), GC1)]],
                rows_v.at[pl.ds(GC0, GC1)], sem)
            cp0.wait()
            cp1.wait()

            def acc_body(r, accs):
                return tuple(accs[g] + rows_v[r, pl.ds(g * 16, 16)]
                             for g in range(D // 16))

            accs = lax.fori_loop(
                0, CTX, acc_body,
                tuple(jnp.zeros((16,), jnp.float32) for _ in range(D // 16)))
            for g in range(D // 16):
                out_v[e, pl.ds(g * 16, 16)] = accs[g] * (1.0 / CTX)
            return 0

        lax.fori_loop(0, RPW, row_body, 0)
        pltpu.sync_copy(out_v, out_hbm.at[pl.ds(base, RPW)])

    return body(inputs.reshape(B * CTX), table)


_DN = (((0,), (0,)), ((), ()))


def _sumexp_body(a_ref, w_ref, s_ref):
    j = pl.program_id(0)

    @pl.when(j == 0)
    def _():
        s_ref[...] = jnp.zeros_like(s_ref)

    logits = lax.dot_general(w_ref[...], a_ref[...], _DN,
                             preferred_element_type=jnp.float32)
    e = jnp.exp(logits)
    ones = jnp.ones((1, VT), jnp.float32)
    part = jnp.dot(ones, e, preferred_element_type=jnp.float32)
    s_ref[...] += part


def _normalize_body(a_ref, w_ref, s_ref, o_ref):
    logits = lax.dot_general(w_ref[...], a_ref[...], _DN,
                             preferred_element_type=jnp.float32)
    e = jnp.exp(logits)
    inv = 1.0 / s_ref[...]
    o_ref[...] = e * inv


def kernel(inputs, table, W, b):
    avg = _gather_mean(inputs, table)
    aT = jnp.concatenate([avg.T, jnp.ones((1, B), jnp.float32)], axis=0)
    Wa = jnp.concatenate([
        jnp.pad(W, ((0, 0), (0, VP - V))),
        jnp.pad(b, (0, VP - V), constant_values=-jnp.inf).reshape(1, VP),
    ], axis=0)

    s = pl.pallas_call(
        _sumexp_body,
        grid=(NV,),
        in_specs=[
            pl.BlockSpec((D + 1, B), lambda j: (0, 0)),
            pl.BlockSpec((D + 1, VT), lambda j: (0, j)),
        ],
        out_specs=pl.BlockSpec((1, B), lambda j: (0, 0)),
        out_shape=jax.ShapeDtypeStruct((1, B), jnp.float32),
    )(aT, Wa)

    outT = pl.pallas_call(
        _normalize_body,
        grid=(NV,),
        in_specs=[
            pl.BlockSpec((D + 1, B), lambda j: (0, 0)),
            pl.BlockSpec((D + 1, VT), lambda j: (0, j)),
            pl.BlockSpec((1, B), lambda j: (0, 0)),
        ],
        out_specs=pl.BlockSpec((VT, B), lambda j: (j, 0)),
        out_shape=jax.ShapeDtypeStruct((V, B), jnp.float32),
    )(aT, Wa, s)
    return outT.T

# --- scband reference (transcript-rebuilt; emitter-appended) ---
"""Pipeline reference for scband-cbowmodel-55705725829152 (READ-ONLY COPY).

The authoritative reference and input builder live on the scoring server;
editing this copy changes nothing except your own understanding.
"""

import jax, jax.numpy as jnp
import numpy as np

VOCAB = 100000
EMBED_DIM = 64
BATCH = 1024
CTX_LEN = 200


def setup_inputs(seed: int = 0) -> dict:
    key = jax.random.key(seed)
    k1, k2, k3 = jax.random.split(key, 3)
    inputs = jax.random.randint(k1, (BATCH, CTX_LEN), 0, VOCAB, dtype=jnp.int64 if jax.config.jax_enable_x64 else jnp.int32).astype(jnp.int32)
    table = jax.random.normal(k2, (VOCAB, EMBED_DIM), dtype=jnp.float32) * 0.05
    W = jax.random.normal(k3, (EMBED_DIM, VOCAB), dtype=jnp.float32) * 0.05
    b = jnp.zeros((VOCAB,), dtype=jnp.float32)
    return {"inputs": inputs, "table": table, "W": W, "b": b}


def reference(inputs, table, W, b):
    # Embedding lookup (gather): [B, L] -> [B, L, D]
    embedded = jnp.take(table, inputs, axis=0)
    # CBOW mean over the context window: [B, D]
    average = jnp.mean(embedded, axis=1)
    # Dense projection to vocab + softmax: [B, V]
    logits = average @ W + b
    return jax.nn.softmax(logits, axis=-1)

if __name__ == "__main__":
    import jax
    _d = setup_inputs()
    print(jax.jit(kernel)(*tuple(_d.values())))

</pallas_src>

<mosaic_0001>
#map = affine_map<(d0, d1) -> (0)>
#map1 = affine_map<(d0, d1) -> (0, 0)>
module attributes {stable_mosaic.version = 14 : i64} {
  func.func @body(%arg0: i32, %arg1: i32, %arg2: memref<204800xi32, #tpu.memory_space<hbm>>, %arg3: memref<100000x64xf32, #tpu.memory_space<hbm>>, %arg4: memref<1024x64xf32, #tpu.memory_space<hbm>>, %arg5: memref<6400xi32, #tpu.memory_space<vmem>>, %arg6: memref<200x64xf32, #tpu.memory_space<vmem>>, %arg7: memref<32x64xf32, #tpu.memory_space<vmem>>, %arg8: memref<!tpu.dma_semaphore, #tpu.memory_space<semaphore_mem>>) attributes {dimension_semantics = [#tpu.dimension_semantics<core_parallel>, #tpu.dimension_semantics<subcore_parallel>], iteration_bounds = array<i64: 2, 16>, scalar_prefetch = 0 : i64, scratch_operands = 4 : i64, tpu.core_type = #tpu.core_type<sc_vector_subcore>, window_params = [{transform_indices = #map}, {transform_indices = #map1}, {transform_indices = #map1}]} {
    %mul3A = arith.constant 2 : i32
    %mul3A_0 = arith.muli %arg1, %mul3A : i32
    %add3A = arith.addi %mul3A_0, %arg0 : i32
    %mul3A_1 = arith.constant 32 : i32
    %mul3A_2 = arith.muli %add3A, %mul3A_1 : i32
    %mul3A_3 = arith.constant 200 : i32
    %mul3A_4 = arith.muli %mul3A_2, %mul3A_3 : i32
    "tpu.region"() ({
      %run_scoped3A = tpu.sem_alloc : memref<!tpu.dma_semaphore, #tpu.memory_space<semaphore_mem>>
      %dma_start3A = tpu.memref_slice %arg2[%mul3A_4] : memref<204800xi32, #tpu.memory_space<hbm>> -> memref<6400xi32, #tpu.memory_space<hbm>>
      %dma_start3A_11 = tpu.memref_slice %arg2[%mul3A_4] : memref<204800xi32, #tpu.memory_space<hbm>> -> memref<6400xi32, #tpu.memory_space<hbm>>
      tpu.enqueue_dma source(%dma_start3A_11 : memref<6400xi32, #tpu.memory_space<hbm>>) target(%arg5 : memref<6400xi32, #tpu.memory_space<vmem>>) target_semaphore(%run_scoped3A : memref<!tpu.dma_semaphore, #tpu.memory_space<semaphore_mem>>)
      %dma_wait3A = tpu.memref_slice %arg2[%mul3A_4] : memref<204800xi32, #tpu.memory_space<hbm>> -> memref<6400xi32, #tpu.memory_space<hbm>>
      %dma_wait3A_12 = tpu.memref_slice %arg2[%mul3A_4] : memref<204800xi32, #tpu.memory_space<hbm>> -> memref<6400xi32, #tpu.memory_space<hbm>>
      tpu.wait_dma2 semaphore(%run_scoped3A : memref<!tpu.dma_semaphore, #tpu.memory_space<semaphore_mem>>) src(%dma_wait3A_12 : memref<6400xi32, #tpu.memory_space<hbm>>) dst(%arg5 : memref<6400xi32, #tpu.memory_space<vmem>>)
      tpu.yield
    }) : () -> ()
    %scan3A = arith.constant 0 : i32
    %scan3A_5 = arith.constant 0 : i32
    %scan3A_6 = arith.constant 32 : i32
    %scan3A_7 = arith.addi %scan3A_5, %scan3A_6 : i32
    %scan3A_8 = arith.constant 1 : i32
    %scan3A_9 = scf.for %scan3A_11 = %scan3A_5 to %scan3A_7 step %scan3A_8 iter_args(%scan3A_12 = %scan3A) -> (i32)  : i32 {
      %mul3A_13 = arith.constant 200 : i32
      %mul3A_14 = arith.muli %scan3A_11, %mul3A_13 : i32
      %multiple_of3A = tpu.assume_multiple %mul3A_14, 8 : i32
      %dma_start3A = arith.constant 0 : i32
      %dma_start3A_15 = arith.constant 0 : i32
      %dma_start3A_16 = tpu.memref_slice %arg6[%dma_start3A, %dma_start3A_15] : memref<200x64xf32, #tpu.memory_space<vmem>> -> memref<104x64xf32, #tpu.memory_space<vmem>>
      %dma_start3A_17 = tpu.memref_slice %arg5[%multiple_of3A] : memref<6400xi32, #tpu.memory_space<vmem>> -> memref<104xi32, #tpu.memory_space<vmem>>
      %dma_start3A_18 = arith.constant 0 : i32
      %dma_start3A_19 = arith.constant 0 : i32
      %dma_start3A_20 = tpu.memref_slice %arg3[%dma_start3A_18, %dma_start3A_19] : memref<100000x64xf32, #tpu.memory_space<hbm>> -> memref<100000x64xf32, #tpu.memory_space<hbm>>
      tpu.enqueue_indirect_dma source(%dma_start3A_20 : memref<100000x64xf32, #tpu.memory_space<hbm>>) target(%dma_start3A_16 : memref<104x64xf32, #tpu.memory_space<vmem>>) offsets(%dma_start3A_17 : memref<104xi32, #tpu.memory_space<vmem>>) semaphore(%arg8 : memref<!tpu.dma_semaphore, #tpu.memory_space<semaphore_mem>>)
      %add3A_21 = arith.constant 104 : i32
      %add3A_22 = arith.addi %multiple_of3A, %add3A_21 : i32
      %multiple_of3A_23 = tpu.assume_multiple %add3A_22, 8 : i32
      %dma_start3A_24 = arith.constant 104 : i32
      %dma_start3A_25 = arith.constant 0 : i32
      %dma_start3A_26 = tpu.memref_slice %arg6[%dma_start3A_24, %dma_start3A_25] : memref<200x64xf32, #tpu.memory_space<vmem>> -> memref<96x64xf32, #tpu.memory_space<vmem>>
      %dma_start3A_27 = tpu.memref_slice %arg5[%multiple_of3A_23] : memref<6400xi32, #tpu.memory_space<vmem>> -> memref<96xi32, #tpu.memory_space<vmem>>
      %dma_start3A_28 = arith.constant 0 : i32
      %dma_start3A_29 = arith.constant 0 : i32
      %dma_start3A_30 = tpu.memref_slice %arg3[%dma_start3A_28, %dma_start3A_29] : memref<100000x64xf32, #tpu.memory_space<hbm>> -> memref<100000x64xf32, #tpu.memory_space<hbm>>
      tpu.enqueue_indirect_dma source(%dma_start3A_30 : memref<100000x64xf32, #tpu.memory_space<hbm>>) target(%dma_start3A_26 : memref<96x64xf32, #tpu.memory_space<vmem>>) offsets(%dma_start3A_27 : memref<96xi32, #tpu.memory_space<vmem>>) semaphore(%arg8 : memref<!tpu.dma_semaphore, #tpu.memory_space<semaphore_mem>>)
      %dma_wait3A = arith.constant 0 : i32
      %dma_wait3A_31 = arith.constant 0 : i32
      %dma_wait3A_32 = tpu.memref_slice %arg6[%dma_wait3A, %dma_wait3A_31] : memref<200x64xf32, #tpu.memory_space<vmem>> -> memref<104x64xf32, #tpu.memory_space<vmem>>
      %dma_wait3A_33 = tpu.memref_slice %arg5[%multiple_of3A] : memref<6400xi32, #tpu.memory_space<vmem>> -> memref<104xi32, #tpu.memory_space<vmem>>
      %dma_wait3A_34 = arith.constant 0 : i32
      %dma_wait3A_35 = arith.constant 0 : i32
      %dma_wait3A_36 = tpu.memref_slice %arg3[%dma_wait3A_34, %dma_wait3A_35] : memref<100000x64xf32, #tpu.memory_space<hbm>> -> memref<100000x64xf32, #tpu.memory_space<hbm>>
      tpu.wait_indirect_dma semaphore(%arg8 : memref<!tpu.dma_semaphore, #tpu.memory_space<semaphore_mem>>) src(%dma_wait3A_36 : memref<100000x64xf32, #tpu.memory_space<hbm>>) dst(%dma_wait3A_32 : memref<104x64xf32, #tpu.memory_space<vmem>>)
      %dma_wait3A_37 = arith.constant 104 : i32
      %dma_wait3A_38 = arith.constant 0 : i32
      %dma_wait3A_39 = tpu.memref_slice %arg6[%dma_wait3A_37, %dma_wait3A_38] : memref<200x64xf32, #tpu.memory_space<vmem>> -> memref<96x64xf32, #tpu.memory_space<vmem>>
      %dma_wait3A_40 = tpu.memref_slice %arg5[%multiple_of3A_23] : memref<6400xi32, #tpu.memory_space<vmem>> -> memref<96xi32, #tpu.memory_space<vmem>>
      %dma_wait3A_41 = arith.constant 0 : i32
      %dma_wait3A_42 = arith.constant 0 : i32
      %dma_wait3A_43 = tpu.memref_slice %arg3[%dma_wait3A_41, %dma_wait3A_42] : memref<100000x64xf32, #tpu.memory_space<hbm>> -> memref<100000x64xf32, #tpu.memory_space<hbm>>
      tpu.wait_indirect_dma semaphore(%arg8 : memref<!tpu.dma_semaphore, #tpu.memory_space<semaphore_mem>>) src(%dma_wait3A_43 : memref<100000x64xf32, #tpu.memory_space<hbm>>) dst(%dma_wait3A_39 : memref<96x64xf32, #tpu.memory_space<vmem>>)
      %broadcast_in_dim3A = arith.constant 0.000000e+00 : f32
      %broadcast_in_dim3A_44 = vector.broadcast %broadcast_in_dim3A : f32 to vector<16xf32>
      %broadcast_in_dim3A_45 = arith.constant 0.000000e+00 : f32
      %broadcast_in_dim3A_46 = vector.broadcast %broadcast_in_dim3A_45 : f32 to vector<16xf32>
      %broadcast_in_dim3A_47 = arith.constant 0.000000e+00 : f32
      %broadcast_in_dim3A_48 = vector.broadcast %broadcast_in_dim3A_47 : f32 to vector<16xf32>
      %broadcast_in_dim3A_49 = arith.constant 0.000000e+00 : f32
      %broadcast_in_dim3A_50 = vector.broadcast %broadcast_in_dim3A_49 : f32 to vector<16xf32>
      %scan3A_51 = arith.constant 0 : i32
      %scan3A_52 = arith.constant 200 : i32
      %scan3A_53 = arith.addi %scan3A_51, %scan3A_52 : i32
      %scan3A_54 = arith.constant 1 : i32
      %scan3A_55:4 = scf.for %scan3A_89 = %scan3A_51 to %scan3A_53 step %scan3A_54 iter_args(%scan3A_90 = %broadcast_in_dim3A_44, %scan3A_91 = %broadcast_in_dim3A_46, %scan3A_92 = %broadcast_in_dim3A_48, %scan3A_93 = %broadcast_in_dim3A_50) -> (vector<16xf32>, vector<16xf32>, vector<16xf32>, vector<16xf32>)  : i32 {
        %get3A = arith.index_cast %scan3A_89 : i32 to index
        %get3A_94 = arith.constant 0 : index
        %get3A_95 = tpu.vector_load %arg6[%get3A, %get3A_94] {strides = array<i32>} : memref<200x64xf32, #tpu.memory_space<vmem>>, vector<1x16xf32>,
        %get3A_96 = vector.shape_cast %get3A_95 : vector<1x16xf32> to vector<16xf32>
        %add3A_97 = arith.addf %scan3A_90, %get3A_96 : vector<16xf32>
        %get3A_98 = arith.index_cast %scan3A_89 : i32 to index
        %get3A_99 = arith.constant 16 : index
        %get3A_100 = tpu.vector_load %arg6[%get3A_98, %get3A_99] {strides = array<i32>} : memref<200x64xf32, #tpu.memory_space<vmem>>, vector<1x16xf32>,
        %get3A_101 = vector.shape_cast %get3A_100 : vector<1x16xf32> to vector<16xf32>
        %add3A_102 = arith.addf %scan3A_91, %get3A_101 : vector<16xf32>
        %get3A_103 = arith.index_cast %scan3A_89 : i32 to index
        %get3A_104 = arith.constant 32 : index
        %get3A_105 = tpu.vector_load %arg6[%get3A_103, %get3A_104] {strides = array<i32>} : memref<200x64xf32, #tpu.memory_space<vmem>>, vector<1x16xf32>,
        %get3A_106 = vector.shape_cast %get3A_105 : vector<1x16xf32> to vector<16xf32>
        %add3A_107 = arith.addf %scan3A_92, %get3A_106 : vector<16xf32>
        %get3A_108 = arith.index_cast %scan3A_89 : i32 to index
        %get3A_109 = arith.constant 48 : index
        %get3A_110 = tpu.vector_load %arg6[%get3A_108, %get3A_109] {strides = array<i32>} : memref<200x64xf32, #tpu.memory_space<vmem>>, vector<1x16xf32>,
        %get3A_111 = vector.shape_cast %get3A_110 : vector<1x16xf32> to vector<16xf32>
        %add3A_112 = arith.addf %scan3A_93, %get3A_111 : vector<16xf32>
        scf.yield %add3A_97, %add3A_102, %add3A_107, %add3A_112 : vector<16xf32>, vector<16xf32>, vector<16xf32>, vector<16xf32>
      }
      %scan3A_56 = arith.constant 200 : i32
      %mul3A_57 = arith.constant 5.000000e-03 : f32
      %mul3A_58 = vector.broadcast %mul3A_57 : f32 to vector<16xf32>
      %mul3A_59 = arith.mulf %scan3A_55#0, %mul3A_58 : vector<16xf32>
      %swap3A = arith.index_cast %scan3A_11 : i32 to index
      %swap3A_60 = arith.constant 0 : index
      %swap3A_61 = tpu.vector_load %arg7[%swap3A, %swap3A_60] {strides = array<i32>} : memref<32x64xf32, #tpu.memory_space<vmem>>, vector<1x16xf32>,
      %swap3A_62 = vector.shape_cast %swap3A_61 : vector<1x16xf32> to vector<16xf32>
      %swap3A_63 = vector.shape_cast %mul3A_59 : vector<16xf32> to vector<1x16xf32>
      tpu.vector_store %arg7[%swap3A, %swap3A_60], %swap3A_63 {strides = array<i32>} : memref<32x64xf32, #tpu.memory_space<vmem>>, vector<1x16xf32>,
      %mul3A_64 = arith.constant 5.000000e-03 : f32
      %mul3A_65 = vector.broadcast %mul3A_64 : f32 to vector<16xf32>
      %mul3A_66 = arith.mulf %scan3A_55#1, %mul3A_65 : vector<16xf32>
      %swap3A_67 = arith.index_cast %scan3A_11 : i32 to index
      %swap3A_68 = arith.constant 16 : index
      %swap3A_69 = tpu.vector_load %arg7[%swap3A_67, %swap3A_68] {strides = array<i32>} : memref<32x64xf32, #tpu.memory_space<vmem>>, vector<1x16xf32>,
      %swap3A_70 = vector.shape_cast %swap3A_69 : vector<1x16xf32> to vector<16xf32>
      %swap3A_71 = vector.shape_cast %mul3A_66 : vector<16xf32> to vector<1x16xf32>
      tpu.vector_store %arg7[%swap3A_67, %swap3A_68], %swap3A_71 {strides = array<i32>} : memref<32x64xf32, #tpu.memory_space<vmem>>, vector<1x16xf32>,
      %mul3A_72 = arith.constant 5.000000e-03 : f32
      %mul3A_73 = vector.broadcast %mul3A_72 : f32 to vector<16xf32>
      %mul3A_74 = arith.mulf %scan3A_55#2, %mul3A_73 : vector<16xf32>
      %swap3A_75 = arith.index_cast %scan3A_11 : i32 to index
      %swap3A_76 = arith.constant 32 : index
      %swap3A_77 = tpu.vector_load %arg7[%swap3A_75, %swap3A_76] {strides = array<i32>} : memref<32x64xf32, #tpu.memory_space<vmem>>, vector<1x16xf32>,
      %swap3A_78 = vector.shape_cast %swap3A_77 : vector<1x16xf32> to vector<16xf32>
      %swap3A_79 = vector.shape_cast %mul3A_74 : vector<16xf32> to vector<1x16xf32>
      tpu.vector_store %arg7[%swap3A_75, %swap3A_76], %swap3A_79 {strides = array<i32>} : memref<32x64xf32, #tpu.memory_space<vmem>>, vector<1x16xf32>,
      %mul3A_80 = arith.constant 5.000000e-03 : f32
      %mul3A_81 = vector.broadcast %mul3A_80 : f32 to vector<16xf32>
      %mul3A_82 = arith.mulf %scan3A_55#3, %mul3A_81 : vector<16xf32>
      %swap3A_83 = arith.index_cast %scan3A_11 : i32 to index
      %swap3A_84 = arith.constant 48 : index
      %swap3A_85 = tpu.vector_load %arg7[%swap3A_83, %swap3A_84] {strides = array<i32>} : memref<32x64xf32, #tpu.memory_space<vmem>>, vector<1x16xf32>,
      %swap3A_86 = vector.shape_cast %swap3A_85 : vector<1x16xf32> to vector<16xf32>
      %swap3A_87 = vector.shape_cast %mul3A_82 : vector<16xf32> to vector<1x16xf32>
      tpu.vector_store %arg7[%swap3A_83, %swap3A_84], %swap3A_87 {strides = array<i32>} : memref<32x64xf32, #tpu.memory_space<vmem>>, vector<1x16xf32>,
      %scan3A_88 = arith.constant 0 : i32
      scf.yield %scan3A_88 : i32
    }
    %scan3A_10 = arith.constant 32 : i32
    "tpu.region"() ({
      %run_scoped3A = tpu.sem_alloc : memref<!tpu.dma_semaphore, #tpu.memory_space<semaphore_mem>>
      %dma_start3A = arith.constant 0 : i32
      %dma_start3A_11 = tpu.memref_slice %arg4[%mul3A_2, %dma_start3A] : memref<1024x64xf32, #tpu.memory_space<hbm>> -> memref<32x64xf32, #tpu.memory_space<hbm>>
      %dma_start3A_12 = arith.constant 0 : i32
      %dma_start3A_13 = tpu.memref_slice %arg4[%mul3A_2, %dma_start3A_12] : memref<1024x64xf32, #tpu.memory_space<hbm>> -> memref<32x64xf32, #tpu.memory_space<hbm>>
      tpu.enqueue_dma source(%arg7 : memref<32x64xf32, #tpu.memory_space<vmem>>) target(%dma_start3A_13 : memref<32x64xf32, #tpu.memory_space<hbm>>) target_semaphore(%run_scoped3A : memref<!tpu.dma_semaphore, #tpu.memory_space<semaphore_mem>>)
      %dma_wait3A = arith.constant 0 : i32
      %dma_wait3A_14 = tpu.memref_slice %arg4[%mul3A_2, %dma_wait3A] : memref<1024x64xf32, #tpu.memory_space<hbm>> -> memref<32x64xf32, #tpu.memory_space<hbm>>
      %dma_wait3A_15 = arith.constant 0 : i32
      %dma_wait3A_16 = tpu.memref_slice %arg4[%mul3A_2, %dma_wait3A_15] : memref<1024x64xf32, #tpu.memory_space<hbm>> -> memref<32x64xf32, #tpu.memory_space<hbm>>
      tpu.wait_dma2 semaphore(%run_scoped3A : memref<!tpu.dma_semaphore, #tpu.memory_space<semaphore_mem>>) src(%arg7 : memref<32x64xf32, #tpu.memory_space<vmem>>) dst(%dma_wait3A_16 : memref<32x64xf32, #tpu.memory_space<hbm>>)
      tpu.yield
    }) : () -> ()
    return
  }
}

module attributes {stable_mosaic.version = 14 : i64} {
  func.func @_sumexp_body(%arg0: i32, %arg1: memref<65x1024xf32, #tpu.memory_space<vmem>>, %arg2: memref<65x512xf32, #tpu.memory_space<vmem>>, %arg3: memref<1x1024xf32, #tpu.memory_space<vmem>>) attributes {dimension_semantics = [#tpu.dimension_semantics<arbitrary>], iteration_bounds = array<i64: 196>, scalar_prefetch = 0 : i64, scratch_operands = 0 : i64, tpu.core_type = #tpu.core_type<tc>, window_params = [{pipeline_mode = #tpu.pipeline_mode<synchronous>, transform_indices = @transform_0, window_bounds = array<i64: 65, 1024>}, {transform_indices = @transform_1, window_bounds = array<i64: 65, 512>}, {pipeline_mode = #tpu.pipeline_mode<synchronous>, transform_indices = @transform_2, window_bounds = array<i64: 1, 1024>}]} {
    %eq3A = arith.constant 0 : i32
    %eq3A_0 = arith.cmpi eq, %arg0, %eq3A : i32
    %convert_element_type3A = arith.extui %eq3A_0 : i1 to i32
    %cond3A = arith.constant 0 : i32
    %cond3A_1 = arith.cmpi ne, %convert_element_type3A, %cond3A : i32
    scf.if %cond3A_1 {
      %broadcast_in_dim3A_16 = arith.constant 0.000000e+00 : f32
      %broadcast_in_dim3A_17 = vector.broadcast %broadcast_in_dim3A_16 : f32 to vector<1x1024xf32>
      %swap3A_18 = arith.constant 0 : index
      %swap3A_19 = arith.constant 0 : index
      %swap3A_20 = vector.load %arg3[%swap3A_18, %swap3A_19] : memref<1x1024xf32, #tpu.memory_space<vmem>>, vector<1x1024xf32>
      tpu.vector_store %arg3[%swap3A_18, %swap3A_19], %broadcast_in_dim3A_17 {strides = array<i32>} : memref<1x1024xf32, #tpu.memory_space<vmem>>, vector<1x1024xf32>,
    } else {
    }
    %get3A = arith.constant 0 : index
    %get3A_2 = arith.constant 0 : index
    %get3A_3 = vector.load %arg2[%get3A, %get3A_2] : memref<65x512xf32, #tpu.memory_space<vmem>>, vector<65x512xf32>
    %get3A_4 = arith.constant 0 : index
    %get3A_5 = arith.constant 0 : index
    %get3A_6 = vector.load %arg1[%get3A_4, %get3A_5] : memref<65x1024xf32, #tpu.memory_space<vmem>>, vector<65x1024xf32>
    %dot_general3A = arith.constant dense<0.000000e+00> : vector<512x1024xf32>
    %dot_general3A_7 = tpu.matmul %get3A_3, %get3A_6, %dot_general3A {dimension_numbers = #tpu.dot_dimension_numbers<[0], [0], [1], [1], [0, 1, 1, 1], [], []>, transpose_lhs_hint = false} : vector<65x512xf32>, vector<65x1024xf32>, vector<512x1024xf32> -> vector<512x1024xf32>
    %exp3A = math.exp %dot_general3A_7 : vector<512x1024xf32>
    %broadcast_in_dim3A = arith.constant 1.000000e+00 : f32
    %broadcast_in_dim3A_8 = vector.broadcast %broadcast_in_dim3A : f32 to vector<1x512xf32>
    %dot_general3A_9 = arith.constant dense<0.000000e+00> : vector<1x1024xf32>
    %dot_general3A_10 = tpu.matmul %broadcast_in_dim3A_8, %exp3A, %dot_general3A_9 {dimension_numbers = #tpu.dot_dimension_numbers<[1], [0], [0], [1], [0, 0, 1, 1], [], []>, transpose_lhs_hint = false} : vector<1x512xf32>, vector<512x1024xf32>, vector<1x1024xf32> -> vector<1x1024xf32>
    %get3A_11 = arith.constant 0 : index
    %get3A_12 = arith.constant 0 : index
    %get3A_13 = vector.load %arg3[%get3A_11, %get3A_12] : memref<1x1024xf32, #tpu.memory_space<vmem>>, vector<1x1024xf32>
    %add3A = arith.addf %get3A_13, %dot_general3A_10 : vector<1x1024xf32>
    %swap3A = arith.constant 0 : index
    %swap3A_14 = arith.constant 0 : index
    %swap3A_15 = vector.load %arg3[%swap3A, %swap3A_14] : memref<1x1024xf32, #tpu.memory_space<vmem>>, vector<1x1024xf32>
    tpu.vector_store %arg3[%swap3A, %swap3A_14], %add3A {strides = array<i32>} : memref<1x1024xf32, #tpu.memory_space<vmem>>, vector<1x1024xf32>,
    return
  }
  func.func @transform_0(%arg0: i32) -> (i32, i32) {
    %c0_i32 = arith.constant 0 : i32
    %c0_i32_0 = arith.constant 0 : i32
    %c0_i32_1 = arith.constant 0 : i32
    return %c0_i32, %c0_i32_0 : i32, i32
  }
  func.func @transform_1(%arg0: i32) -> (i32, i32) {
    %c0_i32 = arith.constant 0 : i32
    %c0_i32_0 = arith.constant 0 : i32
    return %c0_i32, %arg0 : i32, i32
  }
  func.func @transform_2(%arg0: i32) -> (i32, i32) {
    %c0_i32 = arith.constant 0 : i32
    %c0_i32_0 = arith.constant 0 : i32
    %c0_i32_1 = arith.constant 0 : i32
    return %c0_i32, %c0_i32_0 : i32, i32
  }
}

module attributes {stable_mosaic.version = 14 : i64} {
  func.func @_normalize_body(%arg0: i32, %arg1: memref<65x1024xf32, #tpu.memory_space<vmem>>, %arg2: memref<65x512xf32, #tpu.memory_space<vmem>>, %arg3: memref<1x1024xf32, #tpu.memory_space<vmem>>, %arg4: memref<512x1024xf32, #tpu.memory_space<vmem>>) attributes {dimension_semantics = [#tpu.dimension_semantics<arbitrary>], iteration_bounds = array<i64: 196>, scalar_prefetch = 0 : i64, scratch_operands = 0 : i64, tpu.core_type = #tpu.core_type<tc>, window_params = [{pipeline_mode = #tpu.pipeline_mode<synchronous>, transform_indices = @transform_0, window_bounds = array<i64: 65, 1024>}, {transform_indices = @transform_1, window_bounds = array<i64: 65, 512>}, {pipeline_mode = #tpu.pipeline_mode<synchronous>, transform_indices = @transform_2, window_bounds = array<i64: 1, 1024>}, {transform_indices = @transform_3, window_bounds = array<i64: 512, 1024>}]} {
    %get3A = arith.constant 0 : index
    %get3A_0 = arith.constant 0 : index
    %get3A_1 = vector.load %arg2[%get3A, %get3A_0] : memref<65x512xf32, #tpu.memory_space<vmem>>, vector<65x512xf32>
    %get3A_2 = arith.constant 0 : index
    %get3A_3 = arith.constant 0 : index
    %get3A_4 = vector.load %arg1[%get3A_2, %get3A_3] : memref<65x1024xf32, #tpu.memory_space<vmem>>, vector<65x1024xf32>
    %dot_general3A = arith.constant dense<0.000000e+00> : vector<512x1024xf32>
    %dot_general3A_5 = tpu.matmul %get3A_1, %get3A_4, %dot_general3A {dimension_numbers = #tpu.dot_dimension_numbers<[0], [0], [1], [1], [0, 1, 1, 1], [], []>, transpose_lhs_hint = false} : vector<65x512xf32>, vector<65x1024xf32>, vector<512x1024xf32> -> vector<512x1024xf32>
    %exp3A = math.exp %dot_general3A_5 : vector<512x1024xf32>
    %get3A_6 = arith.constant 0 : index
    %get3A_7 = arith.constant 0 : index
    %get3A_8 = vector.load %arg3[%get3A_6, %get3A_7] : memref<1x1024xf32, #tpu.memory_space<vmem>>, vector<1x1024xf32>
    %div3A = arith.constant 1.000000e+00 : f32
    %div3A_9 = vector.broadcast %div3A : f32 to vector<1x1024xf32>
    %div3A_10 = arith.divf %div3A_9, %get3A_8 : vector<1x1024xf32>
    %mul3A = vector.broadcast %div3A_10 : vector<1x1024xf32> to vector<512x1024xf32>
    %mul3A_11 = arith.mulf %exp3A, %mul3A : vector<512x1024xf32>
    %swap3A = arith.constant 0 : index
    %swap3A_12 = arith.constant 0 : index
    %swap3A_13 = vector.load %arg4[%swap3A, %swap3A_12] : memref<512x1024xf32, #tpu.memory_space<vmem>>, vector<512x1024xf32>
    tpu.vector_store %arg4[%swap3A, %swap3A_12], %mul3A_11 {strides = array<i32>} : memref<512x1024xf32, #tpu.memory_space<vmem>>, vector<512x1024xf32>,
    return
  }
  func.func @transform_0(%arg0: i32) -> (i32, i32) {
    %c0_i32 = arith.constant 0 : i32
    %c0_i32_0 = arith.constant 0 : i32
    %c0_i32_1 = arith.constant 0 : i32
    return %c0_i32, %c0_i32_0 : i32, i32
  }
  func.func @transform_1(%arg0: i32) -> (i32, i32) {
    %c0_i32 = arith.constant 0 : i32
    %c0_i32_0 = arith.constant 0 : i32
    return %c0_i32, %arg0 : i32, i32
  }
  func.func @transform_2(%arg0: i32) -> (i32, i32) {
    %c0_i32 = arith.constant 0 : i32
    %c0_i32_0 = arith.constant 0 : i32
    %c0_i32_1 = arith.constant 0 : i32
    return %c0_i32, %c0_i32_0 : i32, i32
  }
  func.func @transform_3(%arg0: i32) -> (i32, i32) {
    %c0_i32 = arith.constant 0 : i32
    %c0_i32_0 = arith.constant 0 : i32
    return %arg0, %c0_i32 : i32, i32
  }
}

</mosaic_0001>

<sc_bundles>
// kernel: kernel.5.cloned.1.call-start
scs
__scs_entry_jumppad:
0x0: {  	(pc) =	sbr.rel $0x88, $3  }
0x1: {  	(tag) =	ssettag $0x0;
	lr =	simm.s32 $0x1  }
0x2: {  	[smem:$0x3F9D] =	sst lr;
	_ =	strace $0xD0000000  }
0x3: {  	_ = 	snop  }
0x4: {  	_ = 	snop  }
0x5: {  	_ = 	snop  }
0x6: {  	_ = 	snop  }
0x7: {  	_ = 	snop  }
__scs_overlays_trampoline_lowered:
0x8: {  	[smem:$0x3FAC] =	sst s0  }
0x9: {  	[smem:$0x3FAD] =	sst s1  }
0xa: {  	[smem:$0x3FAE] =	sst s2  }
0xb: {  	[smem:$0x3FAF] =	sst s3  }
0xc: {  	[smem:$0x3FB0] =	sst s4  }
0xd: {  	[smem:$0x3FB1] =	sst s5  }
0xe: {  	[smem:$0x3FB2] =	sst s6  }
0xf: {  	[smem:$0x3FB3] =	sst s7  }
0x10: {  	[smem:$0x3FB4] =	sst s8  }
0x11: {  	[smem:$0x3FB5] =	sst s9;
	s0 =	simm.s32 @!p0 $0x0  }
0x12: {  	s1 =	sld [smem:$0x3F9B];
	s0 =	simm.s32 @p0 $0x1  }
0x13: {  	[smem:$0x3FB6] =	sst s0;
	s0 =	simm.s32 @!p1 $0x0  }
0x14: {  	s2 =	sld [smem:$0x3F9A];
	s0 =	simm.s32 @p1 $0x1  }
0x15: {  	[smem:$0x3FB7] =	sst s0;
	s0 =	simm.s32 @!p2 $0x0  }
0x16: {  	s3 =	sld [smem:$0x3FDB];
	s0 =	simm.s32 @p2 $0x1  }
0x17: {  	s4 =	simm.s32 $0x1BF5;
	[smem:$0x3FB9] =	sst s0  }
0x18: {  	s0 =	sld [smem:$0x3F9C];
	_ =	swait.ge [sflag:s4], $0x0  }
0x19: {  	s7 =	sld [smem:$0x3F9D]  }
0x1a: {  	s8 =	sadd.s32 $0xFFFFE003, lr  }
0x1b: {  	s9 =	sadd.s32 $0xFFFFFEF7, lr;
	s5 =	simm.s32 $0xFFFFFFFF;
	p2 =	slt.u32 s8, $0xFFFFF086  }
0x1c: {  	p1 =	slt.u32 s9, $0xF7A;
	s5 =	simm.s32 @!p2 $0x0  }
0x1d: {  	s5 =	simm.s32 @p1 $0x1;
	p0 =	seq.s32 s7, s2  }
0x1e: {  	s7 =	smul.u32 @!p0 $0xF7A, s2;
	p2 =	seq.s32 @!p0 s5, $0x0  }
0x1f: {  	s9 =	smul.u32 $0xF7A, s1;
	s8 =	simm.s32 @!p0 $0x1BF5;
	p2 =	por !p2, p0  }
0x20: {  	[sflag:s8] =	ssyncset.s32 @!p0 $0xFFFFF086;
	s6 =	sadd.s32 @!p0 s3, s7;
	s7 =	simm.s32 @!p0 $0x108  }
0x21: {  	s3 =	sadd.s32 s3, s9;
	s6 =	sadd.s32 @!p0 $0x88, s6;
	s7 =	simm.s32 @p2 $0x1082  }
0x22: {  	[simem:s7], [sflag:s8] =	dma.local @!p0 [hbm:s6], $0xF7A  }
0x23: {  	s9 =	sor.u32 $0xD0000000, s2;
	s6 =	simm.s32 $0x108;
	_ =	swait.ge @!p0 [sflag:s8], $0x0  }
0x24: {  	s3 =	sadd.s32 $0x88, s3;
	s6 =	simm.s32 @!p1 $0x1082;
	[sflag:s4] =	ssyncset.s32 $0xFFFFF086  }
0x25: {  	[simem:s6], [sflag:s4] =	dma.local [hbm:s3], $0xF7A  }
0x26: {  	[smem:$0x3F9D] =	sst s1;
	(tag) =	ssettag s2;
	_ =	strace s9  }
0x27: {  	s1 =	sld [smem:$0x3FAD]  }
0x28: {  	s2 =	sld [smem:$0x3FAE]  }
0x29: {  	s4 =	sld [smem:$0x3FB0]  }
0x2a: {  	p0 =	seq.s32 s5, $0x0;
	s5 =	sld [smem:$0x3FB1]  }
0x2b: {  	s6 =	sld [smem:$0x3FB2]  }
0x2c: {  	s7 =	sld [smem:$0x3FB3]  }
0x2d: {  	s3 =	simm.s32 $0x108;
	s8 =	sld [smem:$0x3FB4]  }
0x2e: {  	s3 =	simm.s32 @!p0 $0x1082;
	s9 =	sld [smem:$0x3FB5]  }
0x2f: {  	lr =	sadd.s32 s0, s3;
	s0 =	sld [smem:$0x3FAC]  }
0x30: {  	s3 =	sld [smem:$0x3FAF]  }
0x31: {  	[smem:$0x3FB8] =	sst s10  }
0x32: {  	s10 =	sld [smem:$0x3FB6];
	_ =	sdelay $0x3  }
0x33: {  	p0 =	seq.s32 s10, $0x1;
	s10 =	sld [smem:$0x3FB8];
	_ =	sdelay $0x3  }
0x34: {  	[smem:$0x3FB8] =	sst s10  }
0x35: {  	s10 =	sld [smem:$0x3FB7];
	_ =	sdelay $0x3  }
0x36: {  	p1 =	seq.s32 s10, $0x1;
	s10 =	sld [smem:$0x3FB8];
	_ =	sdelay $0x3  }
0x37: {  	[smem:$0x3FB8] =	sst s10  }
0x38: {  	s10 =	sld [smem:$0x3FB9]  }
0x39: {  	_ = 	snop;
	(pc) =	sbr.ind lr, $3  }
0x3a: {  	_ = 	snop  }
0x3b: {  	_ = 	snop  }
0x3c: {  	p2 =	seq.s32 s10, $0x1;
	s10 =	sld [smem:$0x3FB8]  }
0x3d: {  	_ =	shalt  }
0x3e: {  	_ =	shalt  }
0x3f: {  	_ =	shalt  }
0x40: {  	_ =	shalt  }
0x41: {  	_ =	shalt  }
0x42: {  	_ =	shalt  }
0x43: {  	_ =	shalt  }
0x44: {  	_ =	shalt  }
0x45: {  	_ =	shalt  }
0x46: {  	_ =	shalt  }
0x47: {  	_ =	shalt  }
0x48: {  	_ =	shalt  }
0x49: {  	_ =	shalt  }
0x4a: {  	_ =	shalt  }
0x4b: {  	_ =	shalt  }
0x4c: {  	_ =	shalt  }
0x4d: {  	_ =	shalt  }
0x4e: {  	_ =	shalt  }
0x4f: {  	_ =	shalt  }
0x50: {  	_ =	shalt  }
0x51: {  	_ =	shalt  }
0x52: {  	_ =	shalt  }
0x53: {  	_ =	shalt  }
0x54: {  	_ =	shalt  }
0x55: {  	_ =	shalt  }
0x56: {  	_ =	shalt  }
0x57: {  	_ =	shalt  }
0x58: {  	_ =	shalt  }
0x59: {  	_ =	shalt  }
0x5a: {  	_ =	shalt  }
0x5b: {  	_ =	shalt  }
0x5c: {  	_ =	shalt  }
0x5d: {  	_ =	shalt  }
0x5e: {  	_ =	shalt  }
0x5f: {  	_ =	shalt  }
0x60: {  	_ =	shalt  }
0x61: {  	_ =	shalt  }
0x62: {  	_ =	shalt  }
0x63: {  	_ =	shalt  }
0x64: {  	_ =	shalt  }
0x65: {  	_ =	shalt  }
0x66: {  	_ =	shalt  }
0x67: {  	_ =	shalt  }
0x68: {  	_ =	shalt  }
0x69: {  	_ =	shalt  }
0x6a: {  	_ =	shalt  }
0x6b: {  	_ =	shalt  }
0x6c: {  	_ =	shalt  }
0x6d: {  	_ =	shalt  }
0x6e: {  	_ =	shalt  }
0x6f: {  	_ =	shalt  }
0x70: {  	_ =	shalt  }
0x71: {  	_ =	shalt  }
0x72: {  	_ =	shalt  }
0x73: {  	_ =	shalt  }
0x74: {  	_ =	shalt  }
0x75: {  	_ =	shalt  }
0x76: {  	_ =	shalt  }
0x77: {  	_ =	shalt  }
0x78: {  	_ =	shalt  }
0x79: {  	_ =	shalt  }
0x7a: {  	_ =	shalt  }
0x7b: {  	_ =	shalt  }
0x7c: {  	_ =	shalt  }
0x7d: {  	_ =	shalt  }
0x7e: {  	_ =	shalt  }
0x7f: {  	_ =	shalt  }
0x80: {  	_ =	shalt  }
0x81: {  	_ =	shalt  }
0x82: {  	_ =	shalt  }
0x83: {  	_ =	shalt  }
0x84: {  	_ =	shalt  }
0x85: {  	_ =	shalt  }
0x86: {  	_ =	shalt  }
0x87: {  	_ =	shalt  }
.Lfunc_end0:
.L_simem_size_0:
called_computation_lowered:
.L_overlay_start_0:
0x88: {  	s2 =	sld [smem:$0x3FD9]  }
0x89: {  	s3 =	sld [smem:$0x3FFE];
	_ =	sdelay $0x1  }
0x8a: {  	s1 =	srdreg.scid  }
0x8b: {  	s0 =	sand.u32 $0x1, s1  }
0x8c: {  	s17 =	sshll.u32 s0, $0xA;
	s2 =	sadd.s32 s3, s2  }
0x8d: {  	s2 =	sadd.s32 s2, s17  }
0x8e: {  	[smem:$0x3FC4] =	sst s2  }
0x8f: {  	_ = 	snop  }
0x90: {  	s2 =	sld [smem:$0x3FD0];
	(tm) =	ssettm $0x1  }
0x91: {  	s18 =	sld [smem:$0x3FFB];
	_ =	sdelay $0x3  }
0x92: {  	_ =	strace s18  }
0x93: {  	s3 =	sld [smem:$0x3FFC];
	_ =	sdelay $0x3  }
0x94: {  	_ =	strace s3  }
0x95: {  	s3 =	sld [smem:$0x3FFD];
	_ =	sdelay $0x3  }
0x96: {  	_ =	strace s3  }
0x97: {  	_ =	strace $0x8FFFFFFF  }
0x98: {  	s19 =	sld [smem:$0x3FDB];
	_ =	sdelay $0x1  }
0x99: {  	s4 =	simm.s32 $_scs_section_size  }
0x9a: {  	s5 =	simm.s32 $_size__tile_overlayer_lowered;
	s6 =	simm.s32 $_tile_overlayer_lowered  }
0x9b: {  	s22 =	simm.s32 $0x1BFF;
	s21 =	sshll.u32 s6, $0x1;
	s3 =	sadd.s32 s4, s19  }
0x9c: {  	s7 =	simm.s32 $0x0;
	s20 =	sshll.u32 s5, $0x1;
	s5 =	sadd.s32 s21, s3  }
0x9d: {  	[timem:s7], [sflag:s22] =	dma.local [hbm:s5], s20  }
0x9e: {  	_ =	swait.ge [sflag:s22], s20  }
0x9f: {  	s4 =	ssub.s32 $0x0, s20;
	[sflag:s22] =	ssyncset.done $0x0  }
0xa0: {  	[sflag:s22] =	ssyncadd.s32 s4;
	_ =	sdelay $0x1  }
0xa1: {  	s23 =	simm.s32 $0x1B8B  }
0xa2: {  	_ =	swait.ge [sflag:s23], $0x1  }
0xa3: {  	[sflag:s23] =	ssyncset.done $0x0  }
0xa4: {  	s25 =	simm.s32 $0x1B8E;
	s24 =	sld [smem:$0x3FFE];
	[sflag:s23] =	ssyncadd.s32 $0xFFFFFFFF  }
0xa5: {  	s26 =	simm.s32 $execute0_lowered;
	[smem:$0x3FD2] =	sst s25  }
0xa6: {  	s5 =	sshll.u32 s26, $0x1;
	_ =	strace $0x80000046;
	[dreg:$0x1] =	wrdreg $0xFFFFFFFF  }
0xa7: {  	s28 =	simm.s32 $_size_execute0_lowered;
	s3 =	sadd.s32 s3, s5;
	[dreg:$0x0] =	wrdreg $0x0  }
0xa8: {  	s5 =	sshll.u32 s28, $0x1;
	[dreg:$0x2] =	wrdreg s3  }
0xa9: {  	[dreg:$0x3] =	wrdreg s5  }
0xaa: {  	[dreg:$0x4] =	wrdreg $0xC0  }
0xab: {  	_ =	task [dreg:s7], $0x5FFFF  }
0xac: {  	[dreg:$0x1] =	wrdreg $0xFFFFFFFF  }
0xad: {  	[dreg:$0x0] =	wrdreg $0x60  }
0xae: {  	[dreg:$0x2] =	wrdreg s24  }
0xaf: {  	[dreg:$0x3] =	wrdreg s2  }
0xb0: {  	[dreg:$0x4] =	wrdreg $0x9  }
0xb1: {  	_ =	task.clear_ibuf [dreg:s7], $0x5FFFF;
	_ =	strace $0x90000046  }
0xb2: {  	s29 =	simm.s32 $0x9;
	_ =	strace $0x80000048  }
0xb3: {  	_ =	swait.ge [sflag:s29], $0x1  }
0xb4: {  	[sflag:s29] =	ssyncadd.s32 $0xFFFFFFFF  }
0xb5: {  	_ =	strace $0x90000048  }
0xb6: {  	_ =	sfence  }
0xb7: {  	s30 =	sld [smem:$0x0];
	_ =	sdelay $0x2  }
0xb8: {  	s31 =	sshll.u32 s1, $0xD;
	s1 =	sshrl.u32 s1, $0x2  }
0xb9: {  	s3 =	sand.u32 $0x4000, s31;
	s1 =	sadd.s32 s1, s30  }
0xba: {  	s0 =	sor.u32 s3, s0;
	s1 =	sshll.u32 s1, $0x11  }
0xbb: {  	s0 =	sor.u32 s1, s0  }
0xbc: {  	s0 =	sadd.s32 $0x8F2B, s0  }
0xbd: {  	[sflag:s0] =	ssyncadd.remote.s32 $0x1  }
0xbe: {  	_ =	sfence.sel $0xFFFF  }
0xbf: {  	[dreg:$0x0] =	wrdreg $0xFFFFFFFF;
	(pc) =	sbr.abs _section_cstart, $3  }
0xc0: {  	[dreg:$0x1] =	wrdreg $0xFFFFFFFF  }
0xc1: {  	_ =	task.clear_ibuf [dreg:s7], $0x2FFFF;
	_ =	strace $0x9FFFFFFF  }
0xc2: {  	(tm) =	ssettm $0x7FFFFFFF  }
0xc3: {  	_ =	shalt  }
tec
execute0_lowered:
.L_overlay_start_1:
0x0: {  	(tag) =	ssettag $0x1  }
0x1: {  	s1 =	srdreg.scid;
	s3 =	rddreg [dreg:$0x0]  }
0x2: {  	s0 =	stileid.u32;
	s5 =	rddreg [dreg:$0x1];
	s2 =	simm.s32 $0x0  }
0x3: {  	s9 =	simm.s32 $0x1900;
	s10 =	simm.s32 $0x60;
	s11 =	simm.s32 $0x3300  }
0x4: {  	s12 =	simm.s32 $0x1;
	s13 =	simm.s32 $0x4B00;
	s14 =	simm.s32 $0x0  }
0x5: {  	s4 =	sand.u32 $0x1, s1;
	s31 =	sshll.u32 s0, $0x1;
	s1 =	rddreg [dreg:$0x2]  }
0x6: {  	[smem:$0x7FF] =	sst s2;
	s6 =	sor.u32 s4, s31;
	s4 =	ssub.s32 $0x2, s4  }
0x7: {  	s7 =	smul.u32 $0x320, s6;
	s8 =	sshrl.u32 s4, $0x1;
	s6 =	sshll.u32 s6, $0x8  }
0x8: {  	_ =	strace $0x80000047;
	s8 =	ssub.s32 s4, s8;
	s5 =	sadd.s32 s5, s6  }
0x9: {  	s7 =	sadd.s32 s7, s3;
	s3 =	sadd.s32 $0x8600, s3;
	s6 =	smax.u32 s8, $0x1  }
0xa: {  	s8 =	simm.s32 $0x68;
	s4 =	sadd.s32 $0x2200, s7;
	s7 =	simm.s32 $0x2  }
.LBB2_1:
0xb: {  	[tilespmem:s2], [sflag:$0x2] =	stream.linear.gather [hbm4b:s4+s2], $0x1900, $0x38;
	[tilespmem:$0x5300] =	vst v63  }
0xc: {  	_ =	swait.ge [sflag:s7], $0x1900  }
0xd: {  	[sflag:s7] =	ssyncset.done $0x0  }
0xe: {  	s15 =	simm.s32 $0x0;
	[sflag:s7] =	ssyncadd.s32 $0xFFFFE700  }
.LBB2_2:
0xf: {  	s16 =	smul.u32 $0x320, s15;
	_ =	sdelay $0x1  }
0x10: {  	s16 =	sshra.s32 s16, $0x2  }
0x11: {  	[tilespmem:s9], [sflag:$0x1] =	stream.indirect.gather [hbm4b:s3+s8], $0x40, s16, s8, $0xb8;
	[tilespmem:$0x5300] =	vst v63  }
0x12: {  	s16 =	sadd.s32 $0x68, s16  }
0x13: {  	[tilespmem:s11], [sflag:$0x1] =	stream.indirect.gather [hbm4b:s3+s10], $0x40, s16, s10, $0xb8;
	[tilespmem:$0x5300] =	vst v63  }
0x14: {  	_ =	swait.ge [sflag:s12], $0x1A00  }
0x15: {  	[sflag:s12] =	ssyncset.done $0x0  }
0x16: {  	[sflag:s12] =	ssyncadd.s32 $0xFFFFE600  }
0x17: {  	_ =	swait.ge [sflag:s12], $0x1800  }
0x18: {  	[sflag:s12] =	ssyncset.done $0x0  }
0x19: {  	s17 =	simm.s32 $0x0;
	[sflag:s12] =	ssyncadd.s32 $0xFFFFE800  }
0x1a: {  	v1 =	vld [tilespmem:s17+$0x1930]  }
0x1b: {  	v2 =	vld [tilespmem:s17+$0x1900]  }
0x1c: {  	v0 =	vimm.f32 $0.0e+00;
	v3 =	vld [tilespmem:s17+$0x1910]  }
0x1d: {  	v5 =	vimm.f32 $0.0e+00;
	v6 =	vimm.f32 $0.0e+00;
	v7 =	vimm.f32 $0.0e+00;
	s16 =	simm.s32 $0x100;
	v4 =	vld [tilespmem:s17+$0x1920]  }
.LBB2_3:
0x1e: {  	p0 =	sne.s32 s16, $0xC700  }
.Ltmp0:
0x1f: {  	s17 =	sshra.s32 s16, $0x2;
	s16 =	sadd.s32 $0x100, s16;
	v0 =	vadd.f32 v1, v0;
	(pc) =	sbr.rel @p0 .LBB2_3-.Ltmp0, $4  }
0x20: {  	v1 =	vld [tilespmem:s17+$0x1930];
	v5 =	vadd.f32 v2, v5  }
0x21: {  	v2 =	vld [tilespmem:s17+$0x1900];
	v6 =	vadd.f32 v3, v6  }
0x22: {  	v3 =	vld [tilespmem:s17+$0x1910];
	v7 =	vadd.f32 v4, v7  }
0x23: {  	v4 =	vld [tilespmem:s17+$0x1920]  }
0x24: {  	_ = 	snop  }
0x25: {  	v0 =	vadd.f32 v1, v0  }
0x26: {  	s16 =	sshll.u32 s15, $0x6;
	s15 =	sadd.s32 $0x1, s15;
	v2 =	vadd.f32 v2, v5  }
0x27: {  	p0 =	sne.s32 s15, $0x20;
	v3 =	vadd.f32 v3, v6;
	v0 =	vmul.f32 $4.999999890e-03, v0  }
.Ltmp1:
0x28: {  	s16 =	sand.u32 $0x3FFFFFC0, s16;
	v4 =	vadd.f32 v4, v7;
	v2 =	vmul.f32 $4.999999890e-03, v2;
	(pc) =	sbr.rel @p0 .LBB2_2-.Ltmp1, $4  }
0x29: {  	v62 =	vmul.f32 $4.999999890e-03, v3;
	[tilespmem:s16+$0x4B30] =	vst v0  }
0x2a: {  	[tilespmem:s16+$0x4B00] =	vst v2;
	v63 =	vmul.f32 $4.999999890e-03, v4  }
0x2b: {  	[tilespmem:s16+$0x4B10] =	vst v62  }
0x2c: {  	[tilespmem:s16+$0x4B20] =	vst v63  }
0x2d: {  	s14 =	sadd.s32 $0x1, s14  }
0x2e: {  	p0 =	sne.s32 s14, s6  }
.Ltmp2:
0x2f: {  	_ = 	snop;
	(pc) =	sbr.rel @p0 .LBB2_1-.Ltmp2, $4  }
0x30: {  	[hbm4b:s5+s2] =	stream.linear.scatter [tilespmem:s13], [sflag:$0x2], $0x800, $0x38;
	[tilespmem:$0x5300] =	vst v63  }
0x31: {  	_ =	swait.ge [sflag:s7], $0x800  }
0x32: {  	[sflag:s7] =	ssyncset.done $0x0  }
0x33: {  	[sflag:s7] =	ssyncadd.s32 $0xFFFFF800  }
0x34: {  	_ =	sfence.sel $0x180000  }
0x35: {  	[bflag:$0x0] =	sbarrier.arrive $0xFFFF  }
0x36: {  	p0 =	sne.s32 s0, $0x0;
	_ =	strace $0x90000047  }
0x37: {  	s0 =	sadd.s32 @!p0 $0x100000, s1;
	[bflag:$0x2] =	sbarrier.arrive $0xFFFF  }
0x38: {  	[sflag:s0] =	ssyncadd.tile.s32 @!p0 $0x1;
	_ =	shalt  }
.Lfunc_end2:
_tile_overlayer_lowered:
.L_overlay_start_2:
0x39: {  	(tag) =	ssettag $0x2  }
0x3a: {  	s0 =	rddreg [dreg:$0x0];
	s2 =	stileid.u32  }
0x3b: {  	s1 =	rddreg [dreg:$0x1];
	p0 =	sne.s32 s2, $0x0  }
0x3c: {  	s3 =	rddreg [dreg:$0x2];
	[bflag:$0x3] =	sbarrier.arrive $0xFFFF;
	s2 =	simm.s32 @!p0 $0x1C02  }
0x3d: {  	[timem:s3], [sflag:s2] =	dma.local @!p0 [hbm:s0], s1  }
0x3e: {  	s0 =	simm.s32 @!p0 $0x2  }
0x3f: {  	_ =	swait.ge @!p0 [sflag:s0], s1  }
0x40: {  	s1 =	ssub.s32 @!p0 $0x0, s1;
	[sflag:s0] =	ssyncset.done @!p0 $0x0  }
0x41: {  	[sflag:s0] =	ssyncadd.s32 @!p0 s1  }
0x42: {  	[bflag:$0x3] =	sbarrier.arrive $0xFFFF  }
0x43: {  	_ =	shalt  }

</sc_bundles>
